<compile_context>
chip_gen: v7x
topology: tpu7x:2x2x1
jax: 0.10.2.dev20260603
libtpu: 0.0.44.dev20260713+nightly
codegen_flags: <defaults>
</compile_context>

<pallas_src>
import functools

import jax
import jax.numpy as jnp
from jax import lax
from jax.experimental import pallas as pl
from jax.experimental.pallas import tpu as pltpu
from jax.experimental.pallas import tpu_sc as plsc

QUEUE_SIZE = 174080
DIM = 256
BATCH = 1024
NS = 16
ROWS_PER_TILE = QUEUE_SIZE // NS
KEY_ROWS_PER_TILE = BATCH // NS

_mesh = plsc.VectorSubcoreMesh(core_axis_name="c", subcore_axis_name="s")


@functools.partial(
    pl.kernel,
    out_type=jax.ShapeDtypeStruct((QUEUE_SIZE, DIM), jnp.float32),
    mesh=_mesh,
    scratch_types=[
        pltpu.VMEM((KEY_ROWS_PER_TILE,), jnp.int32),
        pltpu.VMEM((KEY_ROWS_PER_TILE, DIM), jnp.float32),
        pltpu.SemaphoreType.DMA,
    ],
)
def _queue_update(key_hbm, queue_hbm, idx_hbm, out_hbm, idx_v, rows_v, sem):
    cid = lax.axis_index("c")
    sid = lax.axis_index("s")

    @pl.when(cid == 0)
    def _():
        base = sid * ROWS_PER_TILE
        pltpu.sync_copy(
            queue_hbm.at[pl.ds(base, ROWS_PER_TILE), :],
            out_hbm.at[pl.ds(base, ROWS_PER_TILE), :],
        )

    plsc.subcore_barrier()

    @pl.when(cid == 0)
    def _():
        kbase = sid * KEY_ROWS_PER_TILE
        pltpu.sync_copy(idx_hbm.at[pl.ds(kbase, KEY_ROWS_PER_TILE)], idx_v)
        pltpu.sync_copy(key_hbm.at[pl.ds(kbase, KEY_ROWS_PER_TILE), :], rows_v)
        pltpu.async_copy(rows_v, out_hbm.at[idx_v], sem).wait()


def kernel(key, queue, queue_ptr):
    ptr = jnp.clip(queue_ptr[0], 0, QUEUE_SIZE - BATCH).astype(jnp.int32)
    idx = ptr + jnp.arange(BATCH, dtype=jnp.int32)
    return _queue_update(key, queue, idx)

# --- scband reference (transcript-rebuilt; emitter-appended) ---
"""Pipeline reference for scband-queue-17995912970286 (READ-ONLY COPY).

The authoritative reference and input builder live on the scoring server;
editing this copy changes nothing except your own understanding.
"""

import jax, jax.numpy as jnp
import numpy as np

QUEUE_SIZE = 174080
CODEBOOK_DIM = 256
BATCH = 1024

def setup_inputs(seed=0) -> dict:
    root = jax.random.key(seed)
    k1, k2 = jax.random.split(root)
    key = jax.random.normal(k1, (BATCH, CODEBOOK_DIM), dtype=jnp.float32)
    queue = jax.random.normal(k2, (QUEUE_SIZE, CODEBOOK_DIM), dtype=jnp.float32) * 0.01
    queue_ptr = jnp.zeros((1,), dtype=jnp.int32)
    return {"key": key, "queue": queue, "queue_ptr": queue_ptr}

def reference(key, queue, queue_ptr):
    # Faithful translation of Queue.dequeue_and_enqueue:
    #   queue[ptr:ptr+batch, :] = key  (scatter-overwrite of a contiguous row block)
    #   ptr = (ptr + batch) % queue_size
    ptr = queue_ptr[0]
    new_queue = jax.lax.dynamic_update_slice(queue, key, (ptr, jnp.zeros((), dtype=ptr.dtype)))
    # ptr update is an integer side-effect in the torch module; the float output
    # of the op is the updated queue buffer (what obtain_feature_from_queue returns).
    return new_queue

if __name__ == "__main__":
    import jax
    _d = setup_inputs()
    print(jax.jit(kernel)(*tuple(_d.values())))

</pallas_src>

<mosaic_0001>
#map = affine_map<(d0, d1) -> (0, 0)>
#map1 = affine_map<(d0, d1) -> (0)>
module attributes {stable_mosaic.version = 14 : i64} {
  func.func @_queue_update(%arg0: i32, %arg1: i32, %arg2: memref<1024x256xf32, #tpu.memory_space<hbm>>, %arg3: memref<174080x256xf32, #tpu.memory_space<hbm>>, %arg4: memref<1024xi32, #tpu.memory_space<hbm>>, %arg5: memref<174080x256xf32, #tpu.memory_space<hbm>>, %arg6: memref<64xi32, #tpu.memory_space<vmem>>, %arg7: memref<64x256xf32, #tpu.memory_space<vmem>>, %arg8: memref<!tpu.dma_semaphore, #tpu.memory_space<semaphore_mem>>) attributes {dimension_semantics = [#tpu.dimension_semantics<core_parallel>, #tpu.dimension_semantics<subcore_parallel>], iteration_bounds = array<i64: 2, 16>, scalar_prefetch = 0 : i64, scratch_operands = 3 : i64, tpu.core_type = #tpu.core_type<sc_vector_subcore>, window_params = [{transform_indices = #map}, {transform_indices = #map}, {transform_indices = #map1}, {transform_indices = #map}]} {
    %eq3A = arith.constant 0 : i32
    %eq3A_0 = arith.cmpi eq, %arg0, %eq3A : i32
    %convert_element_type3A = arith.extui %eq3A_0 : i1 to i32
    %cond3A = arith.constant 0 : i32
    %cond3A_1 = arith.cmpi ne, %convert_element_type3A, %cond3A : i32
    scf.if %cond3A_1 {
      %mul3A = arith.constant 10880 : i32
      %mul3A_7 = arith.muli %arg1, %mul3A : i32
      "tpu.region"() ({
        %run_scoped3A = tpu.sem_alloc : memref<!tpu.dma_semaphore, #tpu.memory_space<semaphore_mem>>
        %dma_start3A = arith.constant 0 : i32
        %dma_start3A_8 = tpu.memref_slice %arg5[%mul3A_7, %dma_start3A] : memref<174080x256xf32, #tpu.memory_space<hbm>> -> memref<10880x256xf32, #tpu.memory_space<hbm>>
        %dma_start3A_9 = arith.constant 0 : i32
        %dma_start3A_10 = tpu.memref_slice %arg3[%mul3A_7, %dma_start3A_9] : memref<174080x256xf32, #tpu.memory_space<hbm>> -> memref<10880x256xf32, #tpu.memory_space<hbm>>
        tpu.enqueue_dma source(%dma_start3A_10 : memref<10880x256xf32, #tpu.memory_space<hbm>>) target(%dma_start3A_8 : memref<10880x256xf32, #tpu.memory_space<hbm>>) target_semaphore(%run_scoped3A : memref<!tpu.dma_semaphore, #tpu.memory_space<semaphore_mem>>)
        %dma_wait3A = arith.constant 0 : i32
        %dma_wait3A_11 = tpu.memref_slice %arg5[%mul3A_7, %dma_wait3A] : memref<174080x256xf32, #tpu.memory_space<hbm>> -> memref<10880x256xf32, #tpu.memory_space<hbm>>
        %dma_wait3A_12 = arith.constant 0 : i32
        %dma_wait3A_13 = tpu.memref_slice %arg3[%mul3A_7, %dma_wait3A_12] : memref<174080x256xf32, #tpu.memory_space<hbm>> -> memref<10880x256xf32, #tpu.memory_space<hbm>>
        tpu.wait_dma2 semaphore(%run_scoped3A : memref<!tpu.dma_semaphore, #tpu.memory_space<semaphore_mem>>) src(%dma_wait3A_13 : memref<10880x256xf32, #tpu.memory_space<hbm>>) dst(%dma_wait3A_11 : memref<10880x256xf32, #tpu.memory_space<hbm>>)
        tpu.yield
      }) : () -> ()
    } else {
    }
    %barrier3A = arith.constant 0 : index
    tpu.barrier barrier_id(%barrier3A)
    %eq3A_2 = arith.constant 0 : i32
    %eq3A_3 = arith.cmpi eq, %arg0, %eq3A_2 : i32
    %convert_element_type3A_4 = arith.extui %eq3A_3 : i1 to i32
    %cond3A_5 = arith.constant 0 : i32
    %cond3A_6 = arith.cmpi ne, %convert_element_type3A_4, %cond3A_5 : i32
    scf.if %cond3A_6 {
      %mul3A = arith.constant 64 : i32
      %mul3A_7 = arith.muli %arg1, %mul3A : i32
      "tpu.region"() ({
        %run_scoped3A = tpu.sem_alloc : memref<!tpu.dma_semaphore, #tpu.memory_space<semaphore_mem>>
        %dma_start3A_12 = tpu.memref_slice %arg4[%mul3A_7] : memref<1024xi32, #tpu.memory_space<hbm>> -> memref<64xi32, #tpu.memory_space<hbm>>
        %dma_start3A_13 = tpu.memref_slice %arg4[%mul3A_7] : memref<1024xi32, #tpu.memory_space<hbm>> -> memref<64xi32, #tpu.memory_space<hbm>>
        tpu.enqueue_dma source(%dma_start3A_13 : memref<64xi32, #tpu.memory_space<hbm>>) target(%arg6 : memref<64xi32, #tpu.memory_space<vmem>>) target_semaphore(%run_scoped3A : memref<!tpu.dma_semaphore, #tpu.memory_space<semaphore_mem>>)
        %dma_wait3A_14 = tpu.memref_slice %arg4[%mul3A_7] : memref<1024xi32, #tpu.memory_space<hbm>> -> memref<64xi32, #tpu.memory_space<hbm>>
        %dma_wait3A_15 = tpu.memref_slice %arg4[%mul3A_7] : memref<1024xi32, #tpu.memory_space<hbm>> -> memref<64xi32, #tpu.memory_space<hbm>>
        tpu.wait_dma2 semaphore(%run_scoped3A : memref<!tpu.dma_semaphore, #tpu.memory_space<semaphore_mem>>) src(%dma_wait3A_15 : memref<64xi32, #tpu.memory_space<hbm>>) dst(%arg6 : memref<64xi32, #tpu.memory_space<vmem>>)
        tpu.yield
      }) : () -> ()
      "tpu.region"() ({
        %run_scoped3A = tpu.sem_alloc : memref<!tpu.dma_semaphore, #tpu.memory_space<semaphore_mem>>
        %dma_start3A_12 = arith.constant 0 : i32
        %dma_start3A_13 = tpu.memref_slice %arg2[%mul3A_7, %dma_start3A_12] : memref<1024x256xf32, #tpu.memory_space<hbm>> -> memref<64x256xf32, #tpu.memory_space<hbm>>
        %dma_start3A_14 = arith.constant 0 : i32
        %dma_start3A_15 = tpu.memref_slice %arg2[%mul3A_7, %dma_start3A_14] : memref<1024x256xf32, #tpu.memory_space<hbm>> -> memref<64x256xf32, #tpu.memory_space<hbm>>
        tpu.enqueue_dma source(%dma_start3A_15 : memref<64x256xf32, #tpu.memory_space<hbm>>) target(%arg7 : memref<64x256xf32, #tpu.memory_space<vmem>>) target_semaphore(%run_scoped3A : memref<!tpu.dma_semaphore, #tpu.memory_space<semaphore_mem>>)
        %dma_wait3A_16 = arith.constant 0 : i32
        %dma_wait3A_17 = tpu.memref_slice %arg2[%mul3A_7, %dma_wait3A_16] : memref<1024x256xf32, #tpu.memory_space<hbm>> -> memref<64x256xf32, #tpu.memory_space<hbm>>
        %dma_wait3A_18 = arith.constant 0 : i32
        %dma_wait3A_19 = tpu.memref_slice %arg2[%mul3A_7, %dma_wait3A_18] : memref<1024x256xf32, #tpu.memory_space<hbm>> -> memref<64x256xf32, #tpu.memory_space<hbm>>
        tpu.wait_dma2 semaphore(%run_scoped3A : memref<!tpu.dma_semaphore, #tpu.memory_space<semaphore_mem>>) src(%dma_wait3A_19 : memref<64x256xf32, #tpu.memory_space<hbm>>) dst(%arg7 : memref<64x256xf32, #tpu.memory_space<vmem>>)
        tpu.yield
      }) : () -> ()
      %dma_start3A = arith.constant 0 : i32
      %dma_start3A_8 = arith.constant 0 : i32
      %dma_start3A_9 = tpu.memref_slice %arg5[%dma_start3A, %dma_start3A_8] : memref<174080x256xf32, #tpu.memory_space<hbm>> -> memref<174080x256xf32, #tpu.memory_space<hbm>>
      tpu.enqueue_indirect_dma source(%arg7 : memref<64x256xf32, #tpu.memory_space<vmem>>) target(%dma_start3A_9 : memref<174080x256xf32, #tpu.memory_space<hbm>>) offsets(%arg6 : memref<64xi32, #tpu.memory_space<vmem>>) semaphore(%arg8 : memref<!tpu.dma_semaphore, #tpu.memory_space<semaphore_mem>>)
      %dma_wait3A = arith.constant 0 : i32
      %dma_wait3A_10 = arith.constant 0 : i32
      %dma_wait3A_11 = tpu.memref_slice %arg5[%dma_wait3A, %dma_wait3A_10] : memref<174080x256xf32, #tpu.memory_space<hbm>> -> memref<174080x256xf32, #tpu.memory_space<hbm>>
      tpu.wait_indirect_dma semaphore(%arg8 : memref<!tpu.dma_semaphore, #tpu.memory_space<semaphore_mem>>) src(%arg7 : memref<64x256xf32, #tpu.memory_space<vmem>>) dst(%dma_wait3A_11 : memref<174080x256xf32, #tpu.memory_space<hbm>>)
    } else {
    }
    return
  }
}

</mosaic_0001>

<sc_bundles>
// kernel: kernel.3.cloned.1.call-start
scs
__scs_entry_jumppad:
0x0: {  	(pc) =	sbr.rel $0x88, $3  }
0x1: {  	(tag) =	ssettag $0x0;
	lr =	simm.s32 $0x1  }
0x2: {  	[smem:$0x3F9E] =	sst lr;
	_ =	strace $0xD0000000  }
0x3: {  	_ = 	snop  }
0x4: {  	_ = 	snop  }
0x5: {  	_ = 	snop  }
0x6: {  	_ = 	snop  }
0x7: {  	_ = 	snop  }
__scs_overlays_trampoline_lowered:
0x8: {  	[smem:$0x3FAD] =	sst s0  }
0x9: {  	[smem:$0x3FAE] =	sst s1  }
0xa: {  	[smem:$0x3FAF] =	sst s2  }
0xb: {  	[smem:$0x3FB0] =	sst s3  }
0xc: {  	[smem:$0x3FB1] =	sst s4  }
0xd: {  	[smem:$0x3FB2] =	sst s5  }
0xe: {  	[smem:$0x3FB3] =	sst s6  }
0xf: {  	[smem:$0x3FB4] =	sst s7  }
0x10: {  	[smem:$0x3FB5] =	sst s8  }
0x11: {  	[smem:$0x3FB6] =	sst s9;
	s0 =	simm.s32 @!p0 $0x0  }
0x12: {  	s1 =	sld [smem:$0x3F9C];
	s0 =	simm.s32 @p0 $0x1  }
0x13: {  	[smem:$0x3FB7] =	sst s0;
	s0 =	simm.s32 @!p1 $0x0  }
0x14: {  	s2 =	sld [smem:$0x3F9B];
	s0 =	simm.s32 @p1 $0x1  }
0x15: {  	[smem:$0x3FB8] =	sst s0;
	s0 =	simm.s32 @!p2 $0x0  }
0x16: {  	s3 =	sld [smem:$0x3FDB];
	s0 =	simm.s32 @p2 $0x1  }
0x17: {  	s4 =	simm.s32 $0x1BF5;
	[smem:$0x3FBA] =	sst s0  }
0x18: {  	s0 =	sld [smem:$0x3F9D];
	_ =	swait.ge [sflag:s4], $0x0  }
0x19: {  	s7 =	sld [smem:$0x3F9E]  }
0x1a: {  	s8 =	sadd.s32 $0xFFFFE003, lr  }
0x1b: {  	s9 =	sadd.s32 $0xFFFFFEF7, lr;
	s5 =	simm.s32 $0xFFFFFFFF;
	p2 =	slt.u32 s8, $0xFFFFF086  }
0x1c: {  	p1 =	slt.u32 s9, $0xF7A;
	s5 =	simm.s32 @!p2 $0x0  }
0x1d: {  	s5 =	simm.s32 @p1 $0x1;
	p0 =	seq.s32 s7, s2  }
0x1e: {  	s7 =	smul.u32 @!p0 $0xF7A, s2;
	p2 =	seq.s32 @!p0 s5, $0x0  }
0x1f: {  	s9 =	smul.u32 $0xF7A, s1;
	s8 =	simm.s32 @!p0 $0x1BF5;
	p2 =	por !p2, p0  }
0x20: {  	[sflag:s8] =	ssyncset.s32 @!p0 $0xFFFFF086;
	s6 =	sadd.s32 @!p0 s3, s7;
	s7 =	simm.s32 @!p0 $0x108  }
0x21: {  	s3 =	sadd.s32 s3, s9;
	s6 =	sadd.s32 @!p0 $0x88, s6;
	s7 =	simm.s32 @p2 $0x1082  }
0x22: {  	[simem:s7], [sflag:s8] =	dma.local @!p0 [hbm:s6], $0xF7A  }
0x23: {  	s9 =	sor.u32 $0xD0000000, s2;
	s6 =	simm.s32 $0x108;
	_ =	swait.ge @!p0 [sflag:s8], $0x0  }
0x24: {  	s3 =	sadd.s32 $0x88, s3;
	s6 =	simm.s32 @!p1 $0x1082;
	[sflag:s4] =	ssyncset.s32 $0xFFFFF086  }
0x25: {  	[simem:s6], [sflag:s4] =	dma.local [hbm:s3], $0xF7A  }
0x26: {  	[smem:$0x3F9E] =	sst s1;
	(tag) =	ssettag s2;
	_ =	strace s9  }
0x27: {  	s1 =	sld [smem:$0x3FAE]  }
0x28: {  	s2 =	sld [smem:$0x3FAF]  }
0x29: {  	s4 =	sld [smem:$0x3FB1]  }
0x2a: {  	p0 =	seq.s32 s5, $0x0;
	s5 =	sld [smem:$0x3FB2]  }
0x2b: {  	s6 =	sld [smem:$0x3FB3]  }
0x2c: {  	s7 =	sld [smem:$0x3FB4]  }
0x2d: {  	s3 =	simm.s32 $0x108;
	s8 =	sld [smem:$0x3FB5]  }
0x2e: {  	s3 =	simm.s32 @!p0 $0x1082;
	s9 =	sld [smem:$0x3FB6]  }
0x2f: {  	lr =	sadd.s32 s0, s3;
	s0 =	sld [smem:$0x3FAD]  }
0x30: {  	s3 =	sld [smem:$0x3FB0]  }
0x31: {  	[smem:$0x3FB9] =	sst s10  }
0x32: {  	s10 =	sld [smem:$0x3FB7];
	_ =	sdelay $0x3  }
0x33: {  	p0 =	seq.s32 s10, $0x1;
	s10 =	sld [smem:$0x3FB9];
	_ =	sdelay $0x3  }
0x34: {  	[smem:$0x3FB9] =	sst s10  }
0x35: {  	s10 =	sld [smem:$0x3FB8];
	_ =	sdelay $0x3  }
0x36: {  	p1 =	seq.s32 s10, $0x1;
	s10 =	sld [smem:$0x3FB9];
	_ =	sdelay $0x3  }
0x37: {  	[smem:$0x3FB9] =	sst s10  }
0x38: {  	s10 =	sld [smem:$0x3FBA]  }
0x39: {  	_ = 	snop;
	(pc) =	sbr.ind lr, $3  }
0x3a: {  	_ = 	snop  }
0x3b: {  	_ = 	snop  }
0x3c: {  	p2 =	seq.s32 s10, $0x1;
	s10 =	sld [smem:$0x3FB9]  }
0x3d: {  	_ =	shalt  }
0x3e: {  	_ =	shalt  }
0x3f: {  	_ =	shalt  }
0x40: {  	_ =	shalt  }
0x41: {  	_ =	shalt  }
0x42: {  	_ =	shalt  }
0x43: {  	_ =	shalt  }
0x44: {  	_ =	shalt  }
0x45: {  	_ =	shalt  }
0x46: {  	_ =	shalt  }
0x47: {  	_ =	shalt  }
0x48: {  	_ =	shalt  }
0x49: {  	_ =	shalt  }
0x4a: {  	_ =	shalt  }
0x4b: {  	_ =	shalt  }
0x4c: {  	_ =	shalt  }
0x4d: {  	_ =	shalt  }
0x4e: {  	_ =	shalt  }
0x4f: {  	_ =	shalt  }
0x50: {  	_ =	shalt  }
0x51: {  	_ =	shalt  }
0x52: {  	_ =	shalt  }
0x53: {  	_ =	shalt  }
0x54: {  	_ =	shalt  }
0x55: {  	_ =	shalt  }
0x56: {  	_ =	shalt  }
0x57: {  	_ =	shalt  }
0x58: {  	_ =	shalt  }
0x59: {  	_ =	shalt  }
0x5a: {  	_ =	shalt  }
0x5b: {  	_ =	shalt  }
0x5c: {  	_ =	shalt  }
0x5d: {  	_ =	shalt  }
0x5e: {  	_ =	shalt  }
0x5f: {  	_ =	shalt  }
0x60: {  	_ =	shalt  }
0x61: {  	_ =	shalt  }
0x62: {  	_ =	shalt  }
0x63: {  	_ =	shalt  }
0x64: {  	_ =	shalt  }
0x65: {  	_ =	shalt  }
0x66: {  	_ =	shalt  }
0x67: {  	_ =	shalt  }
0x68: {  	_ =	shalt  }
0x69: {  	_ =	shalt  }
0x6a: {  	_ =	shalt  }
0x6b: {  	_ =	shalt  }
0x6c: {  	_ =	shalt  }
0x6d: {  	_ =	shalt  }
0x6e: {  	_ =	shalt  }
0x6f: {  	_ =	shalt  }
0x70: {  	_ =	shalt  }
0x71: {  	_ =	shalt  }
0x72: {  	_ =	shalt  }
0x73: {  	_ =	shalt  }
0x74: {  	_ =	shalt  }
0x75: {  	_ =	shalt  }
0x76: {  	_ =	shalt  }
0x77: {  	_ =	shalt  }
0x78: {  	_ =	shalt  }
0x79: {  	_ =	shalt  }
0x7a: {  	_ =	shalt  }
0x7b: {  	_ =	shalt  }
0x7c: {  	_ =	shalt  }
0x7d: {  	_ =	shalt  }
0x7e: {  	_ =	shalt  }
0x7f: {  	_ =	shalt  }
0x80: {  	_ =	shalt  }
0x81: {  	_ =	shalt  }
0x82: {  	_ =	shalt  }
0x83: {  	_ =	shalt  }
0x84: {  	_ =	shalt  }
0x85: {  	_ =	shalt  }
0x86: {  	_ =	shalt  }
0x87: {  	_ =	shalt  }
.Lfunc_end0:
.L_simem_size_0:
called_computation_lowered:
.L_overlay_start_0:
0x88: {  	s2 =	sld [smem:$0x3FD9]  }
0x89: {  	s3 =	sld [smem:$0x3FFE];
	_ =	sdelay $0x1  }
0x8a: {  	s1 =	srdreg.scid  }
0x8b: {  	s0 =	sand.u32 $0x1, s1  }
0x8c: {  	s17 =	sshll.u32 s0, $0xA;
	s2 =	sadd.s32 s3, s2  }
0x8d: {  	s2 =	sadd.s32 s2, s17  }
0x8e: {  	[smem:$0x3FC5] =	sst s2  }
0x8f: {  	_ = 	snop  }
0x90: {  	s2 =	sld [smem:$0x3FC9]  }
0x91: {  	s18 =	sld [smem:$0x3FC8]  }
0x92: {  	s4 =	sld [smem:$0x3FD0];
	(tm) =	ssettm $0x1  }
0x93: {  	s5 =	sld [smem:$0x3FFB];
	_ =	sdelay $0x3  }
0x94: {  	_ =	strace s5  }
0x95: {  	s5 =	sld [smem:$0x3FFC];
	_ =	sdelay $0x3  }
0x96: {  	_ =	strace s5  }
0x97: {  	s5 =	sld [smem:$0x3FFD];
	_ =	sdelay $0x3  }
0x98: {  	_ =	strace s5  }
0x99: {  	_ =	strace $0x8FFFFFFF  }
0x9a: {  	s19 =	sld [smem:$0x3FDB];
	_ =	sdelay $0x1  }
0x9b: {  	s6 =	simm.s32 $_scs_section_size  }
0x9c: {  	s7 =	simm.s32 $_size__tile_overlayer_lowered;
	s8 =	simm.s32 $_tile_overlayer_lowered  }
0x9d: {  	s22 =	simm.s32 $0x1BFF;
	s21 =	sshll.u32 s8, $0x1;
	s5 =	sadd.s32 s6, s19  }
0x9e: {  	s9 =	simm.s32 $0x0;
	s20 =	sshll.u32 s7, $0x1;
	s7 =	sadd.s32 s21, s5  }
0x9f: {  	[timem:s9], [sflag:s22] =	dma.local [hbm:s7], s20  }
0xa0: {  	_ =	swait.ge [sflag:s22], s20  }
0xa1: {  	s6 =	ssub.s32 $0x0, s20;
	[sflag:s22] =	ssyncset.done $0x0  }
0xa2: {  	[sflag:s22] =	ssyncadd.s32 s6;
	_ =	sdelay $0x1  }
0xa3: {  	s23 =	simm.s32 $0x1B8B  }
0xa4: {  	_ =	swait.ge [sflag:s23], $0x1  }
0xa5: {  	[sflag:s23] =	ssyncset.done $0x0  }
0xa6: {  	s25 =	simm.s32 $0x1B8E;
	s24 =	sld [smem:$0x3FFE];
	[sflag:s23] =	ssyncadd.s32 $0xFFFFFFFF  }
0xa7: {  	s26 =	simm.s32 $execute0_lowered;
	[smem:$0x3FD2] =	sst s25  }
0xa8: {  	s7 =	sshll.u32 s26, $0x1;
	_ =	strace $0x80000046;
	[dreg:$0x1] =	wrdreg $0xFFFFFFFF  }
0xa9: {  	s28 =	simm.s32 $_size_execute0_lowered;
	s5 =	sadd.s32 s5, s7;
	[dreg:$0x0] =	wrdreg $0x0  }
0xaa: {  	s7 =	sshll.u32 s28, $0x1;
	[dreg:$0x2] =	wrdreg s5  }
0xab: {  	[dreg:$0x3] =	wrdreg s7  }
0xac: {  	[dreg:$0x4] =	wrdreg $0xC0  }
0xad: {  	_ =	task [dreg:s9], $0x5FFFF  }
0xae: {  	[dreg:$0x1] =	wrdreg $0xFFFFFFFF  }
0xaf: {  	[dreg:$0x0] =	wrdreg $0x60  }
0xb0: {  	[dreg:$0x2] =	wrdreg s2  }
0xb1: {  	[dreg:$0x3] =	wrdreg s18  }
0xb2: {  	[dreg:$0x4] =	wrdreg s24  }
0xb3: {  	[dreg:$0x5] =	wrdreg s4  }
0xb4: {  	[dreg:$0x6] =	wrdreg $0x9  }
0xb5: {  	_ =	task.clear_ibuf [dreg:s9], $0x7FFFF;
	_ =	strace $0x90000046  }
0xb6: {  	s29 =	simm.s32 $0x9;
	_ =	strace $0x80000048  }
0xb7: {  	_ =	swait.ge [sflag:s29], $0x1  }
0xb8: {  	[sflag:s29] =	ssyncadd.s32 $0xFFFFFFFF  }
0xb9: {  	_ =	strace $0x90000048  }
0xba: {  	_ =	sfence  }
0xbb: {  	s30 =	sld [smem:$0x0];
	_ =	sdelay $0x2  }
0xbc: {  	s31 =	sshll.u32 s1, $0xD;
	s1 =	sshrl.u32 s1, $0x2  }
0xbd: {  	s3 =	sand.u32 $0x4000, s31;
	s1 =	sadd.s32 s1, s30  }
0xbe: {  	s0 =	sor.u32 s3, s0;
	s1 =	sshll.u32 s1, $0x11  }
0xbf: {  	s0 =	sor.u32 s1, s0  }
0xc0: {  	s0 =	sadd.s32 $0x8F2B, s0  }
0xc1: {  	[sflag:s0] =	ssyncadd.remote.s32 $0x1  }
0xc2: {  	_ =	sfence.sel $0xFFFF  }
0xc3: {  	[dreg:$0x0] =	wrdreg $0xFFFFFFFF;
	(pc) =	sbr.abs _section_cstart, $3  }
0xc4: {  	[dreg:$0x1] =	wrdreg $0xFFFFFFFF  }
0xc5: {  	_ =	task.clear_ibuf [dreg:s9], $0x2FFFF;
	_ =	strace $0x9FFFFFFF  }
0xc6: {  	(tm) =	ssettm $0x7FFFFFFF  }
0xc7: {  	_ =	shalt  }
tec
execute0_lowered:
.L_overlay_start_1:
0x0: {  	(tag) =	ssettag $0x1  }
0x1: {  	s7 =	rddreg [dreg:$0x0]  }
0x2: {  	s4 =	rddreg [dreg:$0x1]  }
0x3: {  	s5 =	rddreg [dreg:$0x2]  }
0x4: {  	s2 =	rddreg [dreg:$0x3]  }
0x5: {  	s0 =	rddreg [dreg:$0x4];
	s6 =	srdreg.scid;
	s3 =	simm.s32 $0x0  }
0x6: {  	s1 =	stileid.u32;
	s12 =	simm.s32 $0x880;
	s13 =	simm.s32 $0x1080  }
0x7: {  	s14 =	simm.s32 $0x1880;
	s15 =	simm.s32 $0x2080;
	s16 =	simm.s32 $0x2880  }
0x8: {  	s17 =	simm.s32 $0x3080;
	s18 =	simm.s32 $0x3880;
	s19 =	simm.s32 $0x1  }
0x9: {  	s9 =	sand.u32 $0x1, s6;
	[smem:$0x7FF] =	sst s3;
	s8 =	smul.u32 $0x55000, s1  }
0xa: {  	s10 =	sshll.u32 s1, $0x3;
	s30 =	sshll.u32 s1, $0xB;
	s31 =	sshll.u32 s1, $0x6  }
.Ltmp0:
0xb: {  	s6 =	ssub.s32 $0x2, s9;
	_ =	strace $0x80000047;
	(pc) =	sbr.rel .LBB2_1-.Ltmp0, $4  }
0xc: {  	s10 =	sadd.s32 s10, s5;
	s7 =	sadd.s32 s7, s30;
	p0 =	sne.s32 s9, $0x0  }
0xd: {  	v2 =	vlaneseq.u32;
	s9 =	sor.u32 $0x1C02, s31;
	s11 =	sshrl.u32 s6, $0x1;
	s4 =	sadd.s32 s4, s8  }
0xe: {  	vm0 =	vmmov $0xffff;
	v1 =	vshrl.u32 v2, $0x3;
	s5 =	sadd.s32 s2, s8;
	s11 =	ssub.s32 s6, s11;
	s6 =	sadd.s32 $0x400, s10  }
0xf: {  	v0 =	vand.u32 $0x7, v2;
	v2 =	vor.u32 $0x8, v2;
	v1 =	vmul.u32 $0x8, v1;
	s10 =	simm.s32 $0x2;
	s8 =	smax.u32 s11, $0x1;
	s11 =	simm.s32 $0x80  }
.LBB2_3:
0x10: {  	[bflag:$0x0] =	sbarrier.arrive $0xFFFF  }
.LBB2_4:
0x11: {  	s8 =	sadd.s32 $0xFFFFFFFF, s8  }
0x12: {  	p1 =	sne.s32 s8, $0x0  }
.Ltmp1:
0x13: {  	_ = 	snop;
	(pc) =	sbr.rel @!p1 .LBB2_5-.Ltmp1, $1  }
0x14: {  	_ =	sdelay $0x3  }
.LBB2_1:
.Ltmp2:
0x15: {  	(pc) =	sbr.rel @p0 .LBB2_3-.Ltmp2, $1  }
0x16: {  	_ =	sdelay $0x3  }
0x17: {  	[hbm:s5], [sflag:s9] =	dma.local [hbm:s4], $0x55000  }
0x18: {  	_ =	swait.ge [sflag:s10], $0x55000  }
0x19: {  	[sflag:s10] =	ssyncset.done $0x0  }
0x1a: {  	[sflag:s10] =	ssyncadd.s32 $0xFFFAB000  }
0x1b: {  	[bflag:$0x0] =	sbarrier.arrive $0xFFFF  }
0x1c: {  	[tilespmem:s3], [sflag:$0x2] =	stream.linear.gather [hbm4b:s6+s3], $0x40, $0x38;
	[tilespmem:$0x4080] =	vst v63  }
0x1d: {  	_ =	swait.ge [sflag:s10], $0x40  }
0x1e: {  	[sflag:s10] =	ssyncset.done $0x0  }
0x1f: {  	[sflag:s10] =	ssyncadd.s32 $0xFFFFFFC0  }
0x20: {  	[tilespmem:s11], [sflag:$0x2] =	stream.linear.gather [hbm4b:s7+s3], $0x4000, $0x38;
	[tilespmem:$0x4080] =	vst v63  }
0x21: {  	_ =	swait.ge [sflag:s10], $0x4000  }
0x22: {  	[sflag:s10] =	ssyncset.done $0x0  }
0x23: {  	[sflag:s10] =	ssyncadd.s32 $0xFFFFC000  }
0x24: {  	v3 =	vld [tilespmem:$0x0];
	_ =	sdelay $0x4  }
0x25: {  	v4 =	vshll.u32 v3, $0x1  }
0x26: {  	v3 =	vand.u32 $0x7, v3;
	v4 =	vand.u32 $0xFFFFFFF0, v4  }
0x27: {  	v3 =	vor.u32 v3, v4  }
0x28: {  	v4 =	vperm.xlane v3, v0;
	_ =	sdelay $0x1  }
0x29: {  	v3 =	vperm.xlane v3, v2;
	v4 =	vadd.s32 v1, v4;
	_ =	sdelay $0x1  }
0x2a: {  	v3 =	vadd.s32 v1, v3;
	_ =	sdelay $0x2  }
0x2b: {  	[hbm4b:s2+s3] =	stream.indirect_vreg.scatter [tilespmem:s11], [sflag:$0x1], $0x80, v4, vm0, $0xb8;
	[tilespmem:$0x4080] =	vst v63  }
0x2c: {  	_ = 	snop  }
0x2d: {  	[hbm4b:s2+s3] =	stream.indirect_vreg.scatter [tilespmem:s12], [sflag:$0x1], $0x80, v3, vm0, $0xb8;
	[tilespmem:$0x4080] =	vst v63  }
0x2e: {  	v3 =	vld [tilespmem:$0x10];
	_ =	sdelay $0x4  }
0x2f: {  	v61 =	vshll.u32 v3, $0x1  }
0x30: {  	v3 =	vand.u32 $0x7, v3;
	v4 =	vand.u32 $0xFFFFFFF0, v61  }
0x31: {  	v3 =	vor.u32 v3, v4  }
0x32: {  	v4 =	vperm.xlane v3, v0;
	_ =	sdelay $0x1  }
0x33: {  	v3 =	vperm.xlane v3, v2;
	v4 =	vadd.s32 v1, v4;
	_ =	sdelay $0x1  }
0x34: {  	v3 =	vadd.s32 v1, v3;
	_ =	sdelay $0x2  }
0x35: {  	[hbm4b:s2+s3] =	stream.indirect_vreg.scatter [tilespmem:s13], [sflag:$0x1], $0x80, v4, vm0, $0xb8;
	[tilespmem:$0x4080] =	vst v63  }
0x36: {  	_ = 	snop  }
0x37: {  	[hbm4b:s2+s3] =	stream.indirect_vreg.scatter [tilespmem:s14], [sflag:$0x1], $0x80, v3, vm0, $0xb8;
	[tilespmem:$0x4080] =	vst v63  }
0x38: {  	v3 =	vld [tilespmem:$0x20];
	_ =	sdelay $0x4  }
0x39: {  	v62 =	vshll.u32 v3, $0x1  }
0x3a: {  	v3 =	vand.u32 $0x7, v3;
	v4 =	vand.u32 $0xFFFFFFF0, v62  }
0x3b: {  	v3 =	vor.u32 v3, v4  }
0x3c: {  	v4 =	vperm.xlane v3, v0;
	_ =	sdelay $0x1  }
0x3d: {  	v3 =	vperm.xlane v3, v2;
	v4 =	vadd.s32 v1, v4;
	_ =	sdelay $0x1  }
0x3e: {  	v3 =	vadd.s32 v1, v3;
	_ =	sdelay $0x2  }
0x3f: {  	[hbm4b:s2+s3] =	stream.indirect_vreg.scatter [tilespmem:s15], [sflag:$0x1], $0x80, v4, vm0, $0xb8;
	[tilespmem:$0x4080] =	vst v63  }
0x40: {  	_ = 	snop  }
0x41: {  	[hbm4b:s2+s3] =	stream.indirect_vreg.scatter [tilespmem:s16], [sflag:$0x1], $0x80, v3, vm0, $0xb8;
	[tilespmem:$0x4080] =	vst v63  }
0x42: {  	v3 =	vld [tilespmem:$0x30];
	_ =	sdelay $0x4  }
0x43: {  	v63 =	vshll.u32 v3, $0x1  }
0x44: {  	v3 =	vand.u32 $0x7, v3;
	v4 =	vand.u32 $0xFFFFFFF0, v63  }
0x45: {  	v3 =	vor.u32 v3, v4  }
0x46: {  	v4 =	vperm.xlane v3, v0;
	_ =	sdelay $0x1  }
0x47: {  	v3 =	vperm.xlane v3, v2;
	v4 =	vadd.s32 v1, v4;
	_ =	sdelay $0x1  }
0x48: {  	v3 =	vadd.s32 v1, v3;
	_ =	sdelay $0x2  }
0x49: {  	[hbm4b:s2+s3] =	stream.indirect_vreg.scatter [tilespmem:s17], [sflag:$0x1], $0x80, v4, vm0, $0xb8;
	[tilespmem:$0x4080] =	vst v63  }
.Ltmp3:
0x4a: {  	_ = 	snop;
	(pc) =	sbr.rel .LBB2_4-.Ltmp3, $4  }
0x4b: {  	[hbm4b:s2+s3] =	stream.indirect_vreg.scatter [tilespmem:s18], [sflag:$0x1], $0x80, v3, vm0, $0xb8;
	[tilespmem:$0x4080] =	vst v63  }
0x4c: {  	_ =	swait.ge [sflag:s19], $0x4000  }
0x4d: {  	[sflag:s19] =	ssyncset.done $0x0  }
0x4e: {  	[sflag:s19] =	ssyncadd.s32 $0xFFFFC000  }
.LBB2_5:
0x4f: {  	_ =	sfence.sel $0x180000  }
0x50: {  	[bflag:$0x0] =	sbarrier.arrive $0xFFFF  }
0x51: {  	p0 =	sne.s32 s1, $0x0;
	_ =	strace $0x90000047  }
0x52: {  	s0 =	sadd.s32 @!p0 $0x100000, s0;
	[bflag:$0x2] =	sbarrier.arrive $0xFFFF  }
0x53: {  	[sflag:s0] =	ssyncadd.tile.s32 @!p0 $0x1;
	_ =	shalt  }
.Lfunc_end2:
_tile_overlayer_lowered:
.L_overlay_start_2:
0x54: {  	(tag) =	ssettag $0x2  }
0x55: {  	s0 =	rddreg [dreg:$0x0];
	s2 =	stileid.u32  }
0x56: {  	s1 =	rddreg [dreg:$0x1];
	p0 =	sne.s32 s2, $0x0  }
0x57: {  	s3 =	rddreg [dreg:$0x2];
	[bflag:$0x3] =	sbarrier.arrive $0xFFFF;
	s2 =	simm.s32 @!p0 $0x1C02  }
0x58: {  	[timem:s3], [sflag:s2] =	dma.local @!p0 [hbm:s0], s1  }
0x59: {  	s0 =	simm.s32 @!p0 $0x2  }
0x5a: {  	_ =	swait.ge @!p0 [sflag:s0], s1  }
0x5b: {  	s1 =	ssub.s32 @!p0 $0x0, s1;
	[sflag:s0] =	ssyncset.done @!p0 $0x0  }
0x5c: {  	[sflag:s0] =	ssyncadd.s32 @!p0 s1  }
0x5d: {  	[bflag:$0x3] =	sbarrier.arrive $0xFFFF  }
0x5e: {  	_ =	shalt  }

</sc_bundles>
